<compile_context>
chip_gen: v7x
topology: tpu7x:2x2x1
jax: 0.10.2.dev20260603
libtpu: 0.0.44.dev20260713+nightly
codegen_flags: <defaults>
</compile_context>

<pallas_src>
import functools
import jax
import jax.numpy as jnp
from jax import lax
from jax.experimental import pallas as pl
from jax.experimental.pallas import tpu as pltpu, tpu_sc as plsc

_NBUF = 3
_RG = 8
_CB = 2688


def _sc_copy_add_t(d, n):
    info = plsc.get_sparse_core_info()
    NC, NS = info.num_cores, info.num_subcores
    NW = NC * NS
    nrg = d // _RG
    ncg = NW // nrg
    cols_main = (n // 128 // ncg) * 128 * ncg
    cols_g = cols_main // ncg
    edge = n - cols_main
    nch, chrem = divmod(cols_g, _CB)
    ngroups, grem = divmod(nch, _NBUF)
    assert chrem == 0 and ngroups >= 2
    mesh = plsc.VectorSubcoreMesh(core_axis_name="c", subcore_axis_name="s")

    @functools.partial(
        pl.kernel,
        mesh=mesh,
        out_type=jax.ShapeDtypeStruct((d, n), jnp.float32),
        scratch_types=(
            [pltpu.VMEM((_RG, _CB), jnp.float32) for _ in range(_NBUF)]
            + [pltpu.VMEM((_RG, 16), jnp.float32)]
            + [pltpu.SemaphoreType.DMA for _ in range(2 * _NBUF)]
        ),
    )
    def k(x_hbm, vp_hbm, out_hbm, *refs):
        bufs = refs[:_NBUF]
        val_v = refs[_NBUF]
        sin = refs[_NBUF + 1 : _NBUF + 1 + _NBUF]
        sout = refs[_NBUF + 1 + _NBUF :]

        wid = lax.axis_index("s") * NC + lax.axis_index("c")
        rg = wid // ncg
        cg = lax.rem(wid, ncg)
        r0 = rg * _RG
        c0 = cg * cols_g

        def in_cp(c, b):
            return pltpu.make_async_copy(
                x_hbm.at[pl.ds(r0, _RG), pl.ds(c0 + c * _CB, _CB)],
                bufs[b],
                sin[b],
            )

        def out_cp(c, b):
            return pltpu.make_async_copy(
                bufs[b],
                out_hbm.at[pl.ds(r0, _RG), pl.ds(c0 + c * _CB, _CB)],
                sout[b],
            )

        for b in range(_NBUF):
            in_cp(b, b).start()
        for b in range(_NBUF):
            in_cp(b, b).wait()
            if b == 0:
                @pl.when(cg == 0)
                def _():
                    pltpu.sync_copy(vp_hbm.at[pl.ds(r0, _RG)], val_v)
                    for r in range(_RG):
                        sl = pl.ds(0, 16)
                        bufs[0][r, sl] = bufs[0][r, sl] + val_v[r, sl]
            out_cp(b, b).start()

        @pl.loop(1, ngroups)
        def _(g):
            cbase = g * _NBUF
            for b in range(_NBUF):
                out_cp(cbase - _NBUF + b, b).wait()
                in_cp(cbase + b, b).start()
            for b in range(_NBUF):
                in_cp(cbase + b, b).wait()
                out_cp(cbase + b, b).start()

        for b in range(_NBUF):
            out_cp((ngroups - 1) * _NBUF + b, b).wait()

        for e in range(grem):
            ce = ngroups * _NBUF + e
            pltpu.sync_copy(
                x_hbm.at[pl.ds(r0, _RG), pl.ds(c0 + ce * _CB, _CB)], bufs[0]
            )
            pltpu.sync_copy(
                bufs[0], out_hbm.at[pl.ds(r0, _RG), pl.ds(c0 + ce * _CB, _CB)]
            )

    return k


def kernel(main_tensor, value):
    n, d = main_tensor.shape
    xt = main_tensor.T
    vpad = jnp.zeros((d, 16), dtype=value.dtype).at[:, : value.shape[0]].set(value.T)
    out = _sc_copy_add_t(d, n)(xt, vpad).T
    cols_main = (n // 128 // 4) * 128 * 4
    if cols_main < n:
        tail_rows = jax.lax.slice(main_tensor, (cols_main, 0), (n, d))
        out = jax.lax.dynamic_update_slice(out, tail_rows, (cols_main, 0))
    return out

# --- scband reference (transcript-rebuilt; emitter-appended) ---
"""Pipeline reference for scband-my-model-61933428413555 (READ-ONLY COPY).

The authoritative reference and input builder live on the scoring server;
editing this copy changes nothing except your own understanding.
"""

import jax, jax.numpy as jnp
import numpy as np


def setup_inputs(seed: int = 0) -> dict:
    key = jax.random.key(seed)
    k1, k2 = jax.random.split(key)
    main_tensor = jax.random.normal(k1, (1000000, 64), dtype=jnp.float32)
    value = jax.random.normal(k2, (2, 64), dtype=jnp.float32)
    return {"main_tensor": main_tensor, "value": value}


def reference(main_tensor, value):
    # torch: main_tensor.index_put_((indices,), value, accumulate=True)
    # indices = [0, 1]; accumulate -> scatter-add into rows 0 and 1
    indices = jnp.array([0, 1], dtype=jnp.int32)
    out = main_tensor.at[indices].add(value)
    return out

if __name__ == "__main__":
    import jax
    _d = setup_inputs()
    print(jax.jit(kernel)(*tuple(_d.values())))

</pallas_src>

<mosaic_0001>
#map = affine_map<(d0, d1) -> (0, 0)>
module attributes {stable_mosaic.version = 14 : i64} {
  func.func @k(%arg0: i32, %arg1: i32, %arg2: memref<64x1000000xf32, #tpu.memory_space<hbm>>, %arg3: memref<64x16xf32, #tpu.memory_space<hbm>>, %arg4: memref<64x1000000xf32, #tpu.memory_space<hbm>>, %arg5: memref<8x2688xf32, #tpu.memory_space<vmem>>, %arg6: memref<8x2688xf32, #tpu.memory_space<vmem>>, %arg7: memref<8x2688xf32, #tpu.memory_space<vmem>>, %arg8: memref<8x16xf32, #tpu.memory_space<vmem>>, %arg9: memref<!tpu.dma_semaphore, #tpu.memory_space<semaphore_mem>>, %arg10: memref<!tpu.dma_semaphore, #tpu.memory_space<semaphore_mem>>, %arg11: memref<!tpu.dma_semaphore, #tpu.memory_space<semaphore_mem>>, %arg12: memref<!tpu.dma_semaphore, #tpu.memory_space<semaphore_mem>>, %arg13: memref<!tpu.dma_semaphore, #tpu.memory_space<semaphore_mem>>, %arg14: memref<!tpu.dma_semaphore, #tpu.memory_space<semaphore_mem>>) attributes {dimension_semantics = [#tpu.dimension_semantics<core_parallel>, #tpu.dimension_semantics<subcore_parallel>], iteration_bounds = array<i64: 2, 16>, scalar_prefetch = 0 : i64, scratch_operands = 10 : i64, tpu.core_type = #tpu.core_type<sc_vector_subcore>, window_params = [{transform_indices = #map}, {transform_indices = #map}, {transform_indices = #map}]} {
    %mul3A = arith.constant 2 : i32
    %mul3A_0 = arith.muli %arg1, %mul3A : i32
    %add3A = arith.addi %mul3A_0, %arg0 : i32
    %jit3A = arith.constant 4 : i32
    %div3A = arith.divsi %add3A, %jit3A : i32
    %sign3A = arith.constant 0 : i32
    %sign3A_1 = arith.cmpi sgt, %add3A, %sign3A : i32
    %sign3A_2 = arith.extui %sign3A_1 : i1 to i32
    %sign3A_3 = arith.constant 0 : i32
    %sign3A_4 = arith.cmpi slt, %add3A, %sign3A_3 : i32
    %sign3A_5 = arith.extui %sign3A_4 : i1 to i32
    %sign3A_6 = arith.subi %sign3A_2, %sign3A_5 : i32
    %sign3A_7 = arith.constant 0 : i32
    %sign3A_8 = arith.cmpi sgt, %jit3A, %sign3A_7 : i32
    %sign3A_9 = arith.extui %sign3A_8 : i1 to i32
    %sign3A_10 = arith.constant 0 : i32
    %sign3A_11 = arith.cmpi slt, %jit3A, %sign3A_10 : i32
    %sign3A_12 = arith.extui %sign3A_11 : i1 to i32
    %sign3A_13 = arith.subi %sign3A_9, %sign3A_12 : i32
    %ne3A = arith.cmpi ne, %sign3A_6, %sign3A_13 : i32
    %rem3A = arith.remsi %add3A, %jit3A : i32
    %ne3A_14 = arith.constant 0 : i32
    %ne3A_15 = arith.cmpi ne, %rem3A, %ne3A_14 : i32
    %and3A = arith.andi %ne3A, %ne3A_15 : i1
    %sub3A = arith.constant 1 : i32
    %sub3A_16 = arith.subi %div3A, %sub3A : i32
    %select_n3A = arith.select %and3A, %sub3A_16, %div3A : i32
    %rem3A_17 = arith.constant 4 : i32
    %rem3A_18 = arith.remsi %add3A, %rem3A_17 : i32
    %mul3A_19 = arith.constant 8 : i32
    %mul3A_20 = arith.muli %select_n3A, %mul3A_19 : i32
    %mul3A_21 = arith.constant 249984 : i32
    %mul3A_22 = arith.muli %rem3A_18, %mul3A_21 : i32
    %add3A_23 = arith.constant 0 : i32
    %add3A_24 = arith.addi %mul3A_22, %add3A_23 : i32
    %dma_start3A = tpu.memref_slice %arg2[%mul3A_20, %add3A_24] : memref<64x1000000xf32, #tpu.memory_space<hbm>> -> memref<8x2688xf32, #tpu.memory_space<hbm>>
    %dma_start3A_25 = tpu.memref_slice %arg2[%mul3A_20, %add3A_24] : memref<64x1000000xf32, #tpu.memory_space<hbm>> -> memref<8x2688xf32, #tpu.memory_space<hbm>>
    tpu.enqueue_dma source(%dma_start3A_25 : memref<8x2688xf32, #tpu.memory_space<hbm>>) target(%arg5 : memref<8x2688xf32, #tpu.memory_space<vmem>>) target_semaphore(%arg9 : memref<!tpu.dma_semaphore, #tpu.memory_space<semaphore_mem>>)
    %add3A_26 = arith.constant 2688 : i32
    %add3A_27 = arith.addi %mul3A_22, %add3A_26 : i32
    %dma_start3A_28 = tpu.memref_slice %arg2[%mul3A_20, %add3A_27] : memref<64x1000000xf32, #tpu.memory_space<hbm>> -> memref<8x2688xf32, #tpu.memory_space<hbm>>
    %dma_start3A_29 = tpu.memref_slice %arg2[%mul3A_20, %add3A_27] : memref<64x1000000xf32, #tpu.memory_space<hbm>> -> memref<8x2688xf32, #tpu.memory_space<hbm>>
    tpu.enqueue_dma source(%dma_start3A_29 : memref<8x2688xf32, #tpu.memory_space<hbm>>) target(%arg6 : memref<8x2688xf32, #tpu.memory_space<vmem>>) target_semaphore(%arg10 : memref<!tpu.dma_semaphore, #tpu.memory_space<semaphore_mem>>)
    %add3A_30 = arith.constant 5376 : i32
    %add3A_31 = arith.addi %mul3A_22, %add3A_30 : i32
    %dma_start3A_32 = tpu.memref_slice %arg2[%mul3A_20, %add3A_31] : memref<64x1000000xf32, #tpu.memory_space<hbm>> -> memref<8x2688xf32, #tpu.memory_space<hbm>>
    %dma_start3A_33 = tpu.memref_slice %arg2[%mul3A_20, %add3A_31] : memref<64x1000000xf32, #tpu.memory_space<hbm>> -> memref<8x2688xf32, #tpu.memory_space<hbm>>
    tpu.enqueue_dma source(%dma_start3A_33 : memref<8x2688xf32, #tpu.memory_space<hbm>>) target(%arg7 : memref<8x2688xf32, #tpu.memory_space<vmem>>) target_semaphore(%arg11 : memref<!tpu.dma_semaphore, #tpu.memory_space<semaphore_mem>>)
    %add3A_34 = arith.constant 0 : i32
    %add3A_35 = arith.addi %mul3A_22, %add3A_34 : i32
    %dma_wait3A = tpu.memref_slice %arg2[%mul3A_20, %add3A_35] : memref<64x1000000xf32, #tpu.memory_space<hbm>> -> memref<8x2688xf32, #tpu.memory_space<hbm>>
    %dma_wait3A_36 = tpu.memref_slice %arg2[%mul3A_20, %add3A_35] : memref<64x1000000xf32, #tpu.memory_space<hbm>> -> memref<8x2688xf32, #tpu.memory_space<hbm>>
    tpu.wait_dma2 semaphore(%arg9 : memref<!tpu.dma_semaphore, #tpu.memory_space<semaphore_mem>>) src(%dma_wait3A_36 : memref<8x2688xf32, #tpu.memory_space<hbm>>) dst(%arg5 : memref<8x2688xf32, #tpu.memory_space<vmem>>)
    %eq3A = arith.constant 0 : i32
    %eq3A_37 = arith.cmpi eq, %rem3A_18, %eq3A : i32
    %convert_element_type3A = arith.extui %eq3A_37 : i1 to i32
    %cond3A = arith.constant 0 : i32
    %cond3A_38 = arith.cmpi ne, %convert_element_type3A, %cond3A : i32
    scf.if %cond3A_38 {
      "tpu.region"() ({
        %run_scoped3A = tpu.sem_alloc : memref<!tpu.dma_semaphore, #tpu.memory_space<semaphore_mem>>
        %dma_start3A_209 = arith.constant 0 : i32
        %dma_start3A_210 = tpu.memref_slice %arg3[%mul3A_20, %dma_start3A_209] : memref<64x16xf32, #tpu.memory_space<hbm>> -> memref<8x16xf32, #tpu.memory_space<hbm>>
        %dma_start3A_211 = arith.constant 0 : i32
        %dma_start3A_212 = tpu.memref_slice %arg3[%mul3A_20, %dma_start3A_211] : memref<64x16xf32, #tpu.memory_space<hbm>> -> memref<8x16xf32, #tpu.memory_space<hbm>>
        tpu.enqueue_dma source(%dma_start3A_212 : memref<8x16xf32, #tpu.memory_space<hbm>>) target(%arg8 : memref<8x16xf32, #tpu.memory_space<vmem>>) target_semaphore(%run_scoped3A : memref<!tpu.dma_semaphore, #tpu.memory_space<semaphore_mem>>)
        %dma_wait3A_213 = arith.constant 0 : i32
        %dma_wait3A_214 = tpu.memref_slice %arg3[%mul3A_20, %dma_wait3A_213] : memref<64x16xf32, #tpu.memory_space<hbm>> -> memref<8x16xf32, #tpu.memory_space<hbm>>
        %dma_wait3A_215 = arith.constant 0 : i32
        %dma_wait3A_216 = tpu.memref_slice %arg3[%mul3A_20, %dma_wait3A_215] : memref<64x16xf32, #tpu.memory_space<hbm>> -> memref<8x16xf32, #tpu.memory_space<hbm>>
        tpu.wait_dma2 semaphore(%run_scoped3A : memref<!tpu.dma_semaphore, #tpu.memory_space<semaphore_mem>>) src(%dma_wait3A_216 : memref<8x16xf32, #tpu.memory_space<hbm>>) dst(%arg8 : memref<8x16xf32, #tpu.memory_space<vmem>>)
        tpu.yield
      }) : () -> ()
      %get3A = arith.constant 0 : i32
      %get3A_75 = arith.index_cast %get3A : i32 to index
      %get3A_76 = arith.constant 0 : index
      %get3A_77 = tpu.vector_load %arg5[%get3A_75, %get3A_76] {strides = array<i32>} : memref<8x2688xf32, #tpu.memory_space<vmem>>, vector<1x16xf32>,
      %get3A_78 = vector.shape_cast %get3A_77 : vector<1x16xf32> to vector<16xf32>
      %get3A_79 = arith.constant 0 : i32
      %get3A_80 = arith.index_cast %get3A_79 : i32 to index
      %get3A_81 = arith.constant 0 : index
      %get3A_82 = tpu.vector_load %arg8[%get3A_80, %get3A_81] {strides = array<i32>} : memref<8x16xf32, #tpu.memory_space<vmem>>, vector<1x16xf32>,
      %get3A_83 = vector.shape_cast %get3A_82 : vector<1x16xf32> to vector<16xf32>
      %add3A_84 = arith.addf %get3A_78, %get3A_83 : vector<16xf32>
      %swap3A = arith.constant 0 : i32
      %swap3A_85 = arith.index_cast %swap3A : i32 to index
      %swap3A_86 = arith.constant 0 : index
      %swap3A_87 = tpu.vector_load %arg5[%swap3A_85, %swap3A_86] {strides = array<i32>} : memref<8x2688xf32, #tpu.memory_space<vmem>>, vector<1x16xf32>,
      %swap3A_88 = vector.shape_cast %swap3A_87 : vector<1x16xf32> to vector<16xf32>
      %swap3A_89 = vector.shape_cast %add3A_84 : vector<16xf32> to vector<1x16xf32>
      tpu.vector_store %arg5[%swap3A_85, %swap3A_86], %swap3A_89 {strides = array<i32>} : memref<8x2688xf32, #tpu.memory_space<vmem>>, vector<1x16xf32>,
      %get3A_90 = arith.constant 1 : i32
      %get3A_91 = arith.index_cast %get3A_90 : i32 to index
      %get3A_92 = arith.constant 0 : index
      %get3A_93 = tpu.vector_load %arg5[%get3A_91, %get3A_92] {strides = array<i32>} : memref<8x2688xf32, #tpu.memory_space<vmem>>, vector<1x16xf32>,
      %get3A_94 = vector.shape_cast %get3A_93 : vector<1x16xf32> to vector<16xf32>
      %get3A_95 = arith.constant 1 : i32
      %get3A_96 = arith.index_cast %get3A_95 : i32 to index
      %get3A_97 = arith.constant 0 : index
      %get3A_98 = tpu.vector_load %arg8[%get3A_96, %get3A_97] {strides = array<i32>} : memref<8x16xf32, #tpu.memory_space<vmem>>, vector<1x16xf32>,
      %get3A_99 = vector.shape_cast %get3A_98 : vector<1x16xf32> to vector<16xf32>
      %add3A_100 = arith.addf %get3A_94, %get3A_99 : vector<16xf32>
      %swap3A_101 = arith.constant 1 : i32
      %swap3A_102 = arith.index_cast %swap3A_101 : i32 to index
      %swap3A_103 = arith.constant 0 : index
      %swap3A_104 = tpu.vector_load %arg5[%swap3A_102, %swap3A_103] {strides = array<i32>} : memref<8x2688xf32, #tpu.memory_space<vmem>>, vector<1x16xf32>,
      %swap3A_105 = vector.shape_cast %swap3A_104 : vector<1x16xf32> to vector<16xf32>
      %swap3A_106 = vector.shape_cast %add3A_100 : vector<16xf32> to vector<1x16xf32>
      tpu.vector_store %arg5[%swap3A_102, %swap3A_103], %swap3A_106 {strides = array<i32>} : memref<8x2688xf32, #tpu.memory_space<vmem>>, vector<1x16xf32>,
      %get3A_107 = arith.constant 2 : i32
      %get3A_108 = arith.index_cast %get3A_107 : i32 to index
      %get3A_109 = arith.constant 0 : index
      %get3A_110 = tpu.vector_load %arg5[%get3A_108, %get3A_109] {strides = array<i32>} : memref<8x2688xf32, #tpu.memory_space<vmem>>, vector<1x16xf32>,
      %get3A_111 = vector.shape_cast %get3A_110 : vector<1x16xf32> to vector<16xf32>
      %get3A_112 = arith.constant 2 : i32
      %get3A_113 = arith.index_cast %get3A_112 : i32 to index
      %get3A_114 = arith.constant 0 : index
      %get3A_115 = tpu.vector_load %arg8[%get3A_113, %get3A_114] {strides = array<i32>} : memref<8x16xf32, #tpu.memory_space<vmem>>, vector<1x16xf32>,
      %get3A_116 = vector.shape_cast %get3A_115 : vector<1x16xf32> to vector<16xf32>
      %add3A_117 = arith.addf %get3A_111, %get3A_116 : vector<16xf32>
      %swap3A_118 = arith.constant 2 : i32
      %swap3A_119 = arith.index_cast %swap3A_118 : i32 to index
      %swap3A_120 = arith.constant 0 : index
      %swap3A_121 = tpu.vector_load %arg5[%swap3A_119, %swap3A_120] {strides = array<i32>} : memref<8x2688xf32, #tpu.memory_space<vmem>>, vector<1x16xf32>,
      %swap3A_122 = vector.shape_cast %swap3A_121 : vector<1x16xf32> to vector<16xf32>
      %swap3A_123 = vector.shape_cast %add3A_117 : vector<16xf32> to vector<1x16xf32>
      tpu.vector_store %arg5[%swap3A_119, %swap3A_120], %swap3A_123 {strides = array<i32>} : memref<8x2688xf32, #tpu.memory_space<vmem>>, vector<1x16xf32>,
      %get3A_124 = arith.constant 3 : i32
      %get3A_125 = arith.index_cast %get3A_124 : i32 to index
      %get3A_126 = arith.constant 0 : index
      %get3A_127 = tpu.vector_load %arg5[%get3A_125, %get3A_126] {strides = array<i32>} : memref<8x2688xf32, #tpu.memory_space<vmem>>, vector<1x16xf32>,
      %get3A_128 = vector.shape_cast %get3A_127 : vector<1x16xf32> to vector<16xf32>
      %get3A_129 = arith.constant 3 : i32
      %get3A_130 = arith.index_cast %get3A_129 : i32 to index
      %get3A_131 = arith.constant 0 : index
      %get3A_132 = tpu.vector_load %arg8[%get3A_130, %get3A_131] {strides = array<i32>} : memref<8x16xf32, #tpu.memory_space<vmem>>, vector<1x16xf32>,
      %get3A_133 = vector.shape_cast %get3A_132 : vector<1x16xf32> to vector<16xf32>
      %add3A_134 = arith.addf %get3A_128, %get3A_133 : vector<16xf32>
      %swap3A_135 = arith.constant 3 : i32
      %swap3A_136 = arith.index_cast %swap3A_135 : i32 to index
      %swap3A_137 = arith.constant 0 : index
      %swap3A_138 = tpu.vector_load %arg5[%swap3A_136, %swap3A_137] {strides = array<i32>} : memref<8x2688xf32, #tpu.memory_space<vmem>>, vector<1x16xf32>,
      %swap3A_139 = vector.shape_cast %swap3A_138 : vector<1x16xf32> to vector<16xf32>
      %swap3A_140 = vector.shape_cast %add3A_134 : vector<16xf32> to vector<1x16xf32>
      tpu.vector_store %arg5[%swap3A_136, %swap3A_137], %swap3A_140 {strides = array<i32>} : memref<8x2688xf32, #tpu.memory_space<vmem>>, vector<1x16xf32>,
      %get3A_141 = arith.constant 4 : i32
      %get3A_142 = arith.index_cast %get3A_141 : i32 to index
      %get3A_143 = arith.constant 0 : index
      %get3A_144 = tpu.vector_load %arg5[%get3A_142, %get3A_143] {strides = array<i32>} : memref<8x2688xf32, #tpu.memory_space<vmem>>, vector<1x16xf32>,
      %get3A_145 = vector.shape_cast %get3A_144 : vector<1x16xf32> to vector<16xf32>
      %get3A_146 = arith.constant 4 : i32
      %get3A_147 = arith.index_cast %get3A_146 : i32 to index
      %get3A_148 = arith.constant 0 : index
      %get3A_149 = tpu.vector_load %arg8[%get3A_147, %get3A_148] {strides = array<i32>} : memref<8x16xf32, #tpu.memory_space<vmem>>, vector<1x16xf32>,
      %get3A_150 = vector.shape_cast %get3A_149 : vector<1x16xf32> to vector<16xf32>
      %add3A_151 = arith.addf %get3A_145, %get3A_150 : vector<16xf32>
      %swap3A_152 = arith.constant 4 : i32
      %swap3A_153 = arith.index_cast %swap3A_152 : i32 to index
      %swap3A_154 = arith.constant 0 : index
      %swap3A_155 = tpu.vector_load %arg5[%swap3A_153, %swap3A_154] {strides = array<i32>} : memref<8x2688xf32, #tpu.memory_space<vmem>>, vector<1x16xf32>,
      %swap3A_156 = vector.shape_cast %swap3A_155 : vector<1x16xf32> to vector<16xf32>
      %swap3A_157 = vector.shape_cast %add3A_151 : vector<16xf32> to vector<1x16xf32>
      tpu.vector_store %arg5[%swap3A_153, %swap3A_154], %swap3A_157 {strides = array<i32>} : memref<8x2688xf32, #tpu.memory_space<vmem>>, vector<1x16xf32>,
      %get3A_158 = arith.constant 5 : i32
      %get3A_159 = arith.index_cast %get3A_158 : i32 to index
      %get3A_160 = arith.constant 0 : index
      %get3A_161 = tpu.vector_load %arg5[%get3A_159, %get3A_160] {strides = array<i32>} : memref<8x2688xf32, #tpu.memory_space<vmem>>, vector<1x16xf32>,
      %get3A_162 = vector.shape_cast %get3A_161 : vector<1x16xf32> to vector<16xf32>
      %get3A_163 = arith.constant 5 : i32
      %get3A_164 = arith.index_cast %get3A_163 : i32 to index
      %get3A_165 = arith.constant 0 : index
      %get3A_166 = tpu.vector_load %arg8[%get3A_164, %get3A_165] {strides = array<i32>} : memref<8x16xf32, #tpu.memory_space<vmem>>, vector<1x16xf32>,
      %get3A_167 = vector.shape_cast %get3A_166 : vector<1x16xf32> to vector<16xf32>
      %add3A_168 = arith.addf %get3A_162, %get3A_167 : vector<16xf32>
      %swap3A_169 = arith.constant 5 : i32
      %swap3A_170 = arith.index_cast %swap3A_169 : i32 to index
      %swap3A_171 = arith.constant 0 : index
      %swap3A_172 = tpu.vector_load %arg5[%swap3A_170, %swap3A_171] {strides = array<i32>} : memref<8x2688xf32, #tpu.memory_space<vmem>>, vector<1x16xf32>,
      %swap3A_173 = vector.shape_cast %swap3A_172 : vector<1x16xf32> to vector<16xf32>
      %swap3A_174 = vector.shape_cast %add3A_168 : vector<16xf32> to vector<1x16xf32>
      tpu.vector_store %arg5[%swap3A_170, %swap3A_171], %swap3A_174 {strides = array<i32>} : memref<8x2688xf32, #tpu.memory_space<vmem>>, vector<1x16xf32>,
      %get3A_175 = arith.constant 6 : i32
      %get3A_176 = arith.index_cast %get3A_175 : i32 to index
      %get3A_177 = arith.constant 0 : index
      %get3A_178 = tpu.vector_load %arg5[%get3A_176, %get3A_177] {strides = array<i32>} : memref<8x2688xf32, #tpu.memory_space<vmem>>, vector<1x16xf32>,
      %get3A_179 = vector.shape_cast %get3A_178 : vector<1x16xf32> to vector<16xf32>
      %get3A_180 = arith.constant 6 : i32
      %get3A_181 = arith.index_cast %get3A_180 : i32 to index
      %get3A_182 = arith.constant 0 : index
      %get3A_183 = tpu.vector_load %arg8[%get3A_181, %get3A_182] {strides = array<i32>} : memref<8x16xf32, #tpu.memory_space<vmem>>, vector<1x16xf32>,
      %get3A_184 = vector.shape_cast %get3A_183 : vector<1x16xf32> to vector<16xf32>
      %add3A_185 = arith.addf %get3A_179, %get3A_184 : vector<16xf32>
      %swap3A_186 = arith.constant 6 : i32
      %swap3A_187 = arith.index_cast %swap3A_186 : i32 to index
      %swap3A_188 = arith.constant 0 : index
      %swap3A_189 = tpu.vector_load %arg5[%swap3A_187, %swap3A_188] {strides = array<i32>} : memref<8x2688xf32, #tpu.memory_space<vmem>>, vector<1x16xf32>,
      %swap3A_190 = vector.shape_cast %swap3A_189 : vector<1x16xf32> to vector<16xf32>
      %swap3A_191 = vector.shape_cast %add3A_185 : vector<16xf32> to vector<1x16xf32>
      tpu.vector_store %arg5[%swap3A_187, %swap3A_188], %swap3A_191 {strides = array<i32>} : memref<8x2688xf32, #tpu.memory_space<vmem>>, vector<1x16xf32>,
      %get3A_192 = arith.constant 7 : i32
      %get3A_193 = arith.index_cast %get3A_192 : i32 to index
      %get3A_194 = arith.constant 0 : index
      %get3A_195 = tpu.vector_load %arg5[%get3A_193, %get3A_194] {strides = array<i32>} : memref<8x2688xf32, #tpu.memory_space<vmem>>, vector<1x16xf32>,
      %get3A_196 = vector.shape_cast %get3A_195 : vector<1x16xf32> to vector<16xf32>
      %get3A_197 = arith.constant 7 : i32
      %get3A_198 = arith.index_cast %get3A_197 : i32 to index
      %get3A_199 = arith.constant 0 : index
      %get3A_200 = tpu.vector_load %arg8[%get3A_198, %get3A_199] {strides = array<i32>} : memref<8x16xf32, #tpu.memory_space<vmem>>, vector<1x16xf32>,
      %get3A_201 = vector.shape_cast %get3A_200 : vector<1x16xf32> to vector<16xf32>
      %add3A_202 = arith.addf %get3A_196, %get3A_201 : vector<16xf32>
      %swap3A_203 = arith.constant 7 : i32
      %swap3A_204 = arith.index_cast %swap3A_203 : i32 to index
      %swap3A_205 = arith.constant 0 : index
      %swap3A_206 = tpu.vector_load %arg5[%swap3A_204, %swap3A_205] {strides = array<i32>} : memref<8x2688xf32, #tpu.memory_space<vmem>>, vector<1x16xf32>,
      %swap3A_207 = vector.shape_cast %swap3A_206 : vector<1x16xf32> to vector<16xf32>
      %swap3A_208 = vector.shape_cast %add3A_202 : vector<16xf32> to vector<1x16xf32>
      tpu.vector_store %arg5[%swap3A_204, %swap3A_205], %swap3A_208 {strides = array<i32>} : memref<8x2688xf32, #tpu.memory_space<vmem>>, vector<1x16xf32>,
    } else {
    }
    %add3A_39 = arith.constant 0 : i32
    %add3A_40 = arith.addi %mul3A_22, %add3A_39 : i32
    %dma_start3A_41 = tpu.memref_slice %arg4[%mul3A_20, %add3A_40] : memref<64x1000000xf32, #tpu.memory_space<hbm>> -> memref<8x2688xf32, #tpu.memory_space<hbm>>
    %dma_start3A_42 = tpu.memref_slice %arg4[%mul3A_20, %add3A_40] : memref<64x1000000xf32, #tpu.memory_space<hbm>> -> memref<8x2688xf32, #tpu.memory_space<hbm>>
    tpu.enqueue_dma source(%arg5 : memref<8x2688xf32, #tpu.memory_space<vmem>>) target(%dma_start3A_42 : memref<8x2688xf32, #tpu.memory_space<hbm>>) target_semaphore(%arg12 : memref<!tpu.dma_semaphore, #tpu.memory_space<semaphore_mem>>)
    %add3A_43 = arith.constant 2688 : i32
    %add3A_44 = arith.addi %mul3A_22, %add3A_43 : i32
    %dma_wait3A_45 = tpu.memref_slice %arg2[%mul3A_20, %add3A_44] : memref<64x1000000xf32, #tpu.memory_space<hbm>> -> memref<8x2688xf32, #tpu.memory_space<hbm>>
    %dma_wait3A_46 = tpu.memref_slice %arg2[%mul3A_20, %add3A_44] : memref<64x1000000xf32, #tpu.memory_space<hbm>> -> memref<8x2688xf32, #tpu.memory_space<hbm>>
    tpu.wait_dma2 semaphore(%arg10 : memref<!tpu.dma_semaphore, #tpu.memory_space<semaphore_mem>>) src(%dma_wait3A_46 : memref<8x2688xf32, #tpu.memory_space<hbm>>) dst(%arg6 : memref<8x2688xf32, #tpu.memory_space<vmem>>)
    %add3A_47 = arith.constant 2688 : i32
    %add3A_48 = arith.addi %mul3A_22, %add3A_47 : i32
    %dma_start3A_49 = tpu.memref_slice %arg4[%mul3A_20, %add3A_48] : memref<64x1000000xf32, #tpu.memory_space<hbm>> -> memref<8x2688xf32, #tpu.memory_space<hbm>>
    %dma_start3A_50 = tpu.memref_slice %arg4[%mul3A_20, %add3A_48] : memref<64x1000000xf32, #tpu.memory_space<hbm>> -> memref<8x2688xf32, #tpu.memory_space<hbm>>
    tpu.enqueue_dma source(%arg6 : memref<8x2688xf32, #tpu.memory_space<vmem>>) target(%dma_start3A_50 : memref<8x2688xf32, #tpu.memory_space<hbm>>) target_semaphore(%arg13 : memref<!tpu.dma_semaphore, #tpu.memory_space<semaphore_mem>>)
    %add3A_51 = arith.constant 5376 : i32
    %add3A_52 = arith.addi %mul3A_22, %add3A_51 : i32
    %dma_wait3A_53 = tpu.memref_slice %arg2[%mul3A_20, %add3A_52] : memref<64x1000000xf32, #tpu.memory_space<hbm>> -> memref<8x2688xf32, #tpu.memory_space<hbm>>
    %dma_wait3A_54 = tpu.memref_slice %arg2[%mul3A_20, %add3A_52] : memref<64x1000000xf32, #tpu.memory_space<hbm>> -> memref<8x2688xf32, #tpu.memory_space<hbm>>
    tpu.wait_dma2 semaphore(%arg11 : memref<!tpu.dma_semaphore, #tpu.memory_space<semaphore_mem>>) src(%dma_wait3A_54 : memref<8x2688xf32, #tpu.memory_space<hbm>>) dst(%arg7 : memref<8x2688xf32, #tpu.memory_space<vmem>>)
    %add3A_55 = arith.constant 5376 : i32
    %add3A_56 = arith.addi %mul3A_22, %add3A_55 : i32
    %dma_start3A_57 = tpu.memref_slice %arg4[%mul3A_20, %add3A_56] : memref<64x1000000xf32, #tpu.memory_space<hbm>> -> memref<8x2688xf32, #tpu.memory_space<hbm>>
    %dma_start3A_58 = tpu.memref_slice %arg4[%mul3A_20, %add3A_56] : memref<64x1000000xf32, #tpu.memory_space<hbm>> -> memref<8x2688xf32, #tpu.memory_space<hbm>>
    tpu.enqueue_dma source(%arg7 : memref<8x2688xf32, #tpu.memory_space<vmem>>) target(%dma_start3A_58 : memref<8x2688xf32, #tpu.memory_space<hbm>>) target_semaphore(%arg14 : memref<!tpu.dma_semaphore, #tpu.memory_space<semaphore_mem>>)
    %scan3A = arith.constant 0 : i32
    %scan3A_59 = arith.constant 30 : i32
    %scan3A_60 = arith.addi %scan3A, %scan3A_59 : i32
    %scan3A_61 = arith.constant 1 : i32
    scf.for %scan3A_75 = %scan3A to %scan3A_60 step %scan3A_61  : i32 {
      %mul3A_76 = arith.constant 1 : i32
      %mul3A_77 = arith.muli %scan3A_75, %mul3A_76 : i32
      %add3A_78 = arith.constant 1 : i32
      %add3A_79 = arith.addi %add3A_78, %mul3A_77 : i32
      %mul3A_80 = arith.constant 3 : i32
      %mul3A_81 = arith.muli %add3A_79, %mul3A_80 : i32
      %sub3A_82 = arith.constant 3 : i32
      %sub3A_83 = arith.subi %mul3A_81, %sub3A_82 : i32
      %add3A_84 = arith.constant 0 : i32
      %add3A_85 = arith.addi %sub3A_83, %add3A_84 : i32
      %mul3A_86 = arith.constant 2688 : i32
      %mul3A_87 = arith.muli %add3A_85, %mul3A_86 : i32
      %add3A_88 = arith.addi %mul3A_22, %mul3A_87 : i32
      %dma_wait3A_89 = tpu.memref_slice %arg4[%mul3A_20, %add3A_88] : memref<64x1000000xf32, #tpu.memory_space<hbm>> -> memref<8x2688xf32, #tpu.memory_space<hbm>>
      %dma_wait3A_90 = tpu.memref_slice %arg4[%mul3A_20, %add3A_88] : memref<64x1000000xf32, #tpu.memory_space<hbm>> -> memref<8x2688xf32, #tpu.memory_space<hbm>>
      tpu.wait_dma2 semaphore(%arg12 : memref<!tpu.dma_semaphore, #tpu.memory_space<semaphore_mem>>) src(%arg5 : memref<8x2688xf32, #tpu.memory_space<vmem>>) dst(%dma_wait3A_90 : memref<8x2688xf32, #tpu.memory_space<hbm>>)
      %add3A_91 = arith.constant 0 : i32
      %add3A_92 = arith.addi %mul3A_81, %add3A_91 : i32
      %mul3A_93 = arith.constant 2688 : i32
      %mul3A_94 = arith.muli %add3A_92, %mul3A_93 : i32
      %add3A_95 = arith.addi %mul3A_22, %mul3A_94 : i32
      %dma_start3A_96 = tpu.memref_slice %arg2[%mul3A_20, %add3A_95] : memref<64x1000000xf32, #tpu.memory_space<hbm>> -> memref<8x2688xf32, #tpu.memory_space<hbm>>
      %dma_start3A_97 = tpu.memref_slice %arg2[%mul3A_20, %add3A_95] : memref<64x1000000xf32, #tpu.memory_space<hbm>> -> memref<8x2688xf32, #tpu.memory_space<hbm>>
      tpu.enqueue_dma source(%dma_start3A_97 : memref<8x2688xf32, #tpu.memory_space<hbm>>) target(%arg5 : memref<8x2688xf32, #tpu.memory_space<vmem>>) target_semaphore(%arg9 : memref<!tpu.dma_semaphore, #tpu.memory_space<semaphore_mem>>)
      %sub3A_98 = arith.constant 3 : i32
      %sub3A_99 = arith.subi %mul3A_81, %sub3A_98 : i32
      %add3A_100 = arith.constant 1 : i32
      %add3A_101 = arith.addi %sub3A_99, %add3A_100 : i32
      %mul3A_102 = arith.constant 2688 : i32
      %mul3A_103 = arith.muli %add3A_101, %mul3A_102 : i32
      %add3A_104 = arith.addi %mul3A_22, %mul3A_103 : i32
      %dma_wait3A_105 = tpu.memref_slice %arg4[%mul3A_20, %add3A_104] : memref<64x1000000xf32, #tpu.memory_space<hbm>> -> memref<8x2688xf32, #tpu.memory_space<hbm>>
      %dma_wait3A_106 = tpu.memref_slice %arg4[%mul3A_20, %add3A_104] : memref<64x1000000xf32, #tpu.memory_space<hbm>> -> memref<8x2688xf32, #tpu.memory_space<hbm>>
      tpu.wait_dma2 semaphore(%arg13 : memref<!tpu.dma_semaphore, #tpu.memory_space<semaphore_mem>>) src(%arg6 : memref<8x2688xf32, #tpu.memory_space<vmem>>) dst(%dma_wait3A_106 : memref<8x2688xf32, #tpu.memory_space<hbm>>)
      %add3A_107 = arith.constant 1 : i32
      %add3A_108 = arith.addi %mul3A_81, %add3A_107 : i32
      %mul3A_109 = arith.constant 2688 : i32
      %mul3A_110 = arith.muli %add3A_108, %mul3A_109 : i32
      %add3A_111 = arith.addi %mul3A_22, %mul3A_110 : i32
      %dma_start3A_112 = tpu.memref_slice %arg2[%mul3A_20, %add3A_111] : memref<64x1000000xf32, #tpu.memory_space<hbm>> -> memref<8x2688xf32, #tpu.memory_space<hbm>>
      %dma_start3A_113 = tpu.memref_slice %arg2[%mul3A_20, %add3A_111] : memref<64x1000000xf32, #tpu.memory_space<hbm>> -> memref<8x2688xf32, #tpu.memory_space<hbm>>
      tpu.enqueue_dma source(%dma_start3A_113 : memref<8x2688xf32, #tpu.memory_space<hbm>>) target(%arg6 : memref<8x2688xf32, #tpu.memory_space<vmem>>) target_semaphore(%arg10 : memref<!tpu.dma_semaphore, #tpu.memory_space<semaphore_mem>>)
      %sub3A_114 = arith.constant 3 : i32
      %sub3A_115 = arith.subi %mul3A_81, %sub3A_114 : i32
      %add3A_116 = arith.constant 2 : i32
      %add3A_117 = arith.addi %sub3A_115, %add3A_116 : i32
      %mul3A_118 = arith.constant 2688 : i32
      %mul3A_119 = arith.muli %add3A_117, %mul3A_118 : i32
      %add3A_120 = arith.addi %mul3A_22, %mul3A_119 : i32
      %dma_wait3A_121 = tpu.memref_slice %arg4[%mul3A_20, %add3A_120] : memref<64x1000000xf32, #tpu.memory_space<hbm>> -> memref<8x2688xf32, #tpu.memory_space<hbm>>
      %dma_wait3A_122 = tpu.memref_slice %arg4[%mul3A_20, %add3A_120] : memref<64x1000000xf32, #tpu.memory_space<hbm>> -> memref<8x2688xf32, #tpu.memory_space<hbm>>
      tpu.wait_dma2 semaphore(%arg14 : memref<!tpu.dma_semaphore, #tpu.memory_space<semaphore_mem>>) src(%arg7 : memref<8x2688xf32, #tpu.memory_space<vmem>>) dst(%dma_wait3A_122 : memref<8x2688xf32, #tpu.memory_space<hbm>>)
      %add3A_123 = arith.constant 2 : i32
      %add3A_124 = arith.addi %mul3A_81, %add3A_123 : i32
      %mul3A_125 = arith.constant 2688 : i32
      %mul3A_126 = arith.muli %add3A_124, %mul3A_125 : i32
      %add3A_127 = arith.addi %mul3A_22, %mul3A_126 : i32
      %dma_start3A_128 = tpu.memref_slice %arg2[%mul3A_20, %add3A_127] : memref<64x1000000xf32, #tpu.memory_space<hbm>> -> memref<8x2688xf32, #tpu.memory_space<hbm>>
      %dma_start3A_129 = tpu.memref_slice %arg2[%mul3A_20, %add3A_127] : memref<64x1000000xf32, #tpu.memory_space<hbm>> -> memref<8x2688xf32, #tpu.memory_space<hbm>>
      tpu.enqueue_dma source(%dma_start3A_129 : memref<8x2688xf32, #tpu.memory_space<hbm>>) target(%arg7 : memref<8x2688xf32, #tpu.memory_space<vmem>>) target_semaphore(%arg11 : memref<!tpu.dma_semaphore, #tpu.memory_space<semaphore_mem>>)
      %add3A_130 = arith.constant 0 : i32
      %add3A_131 = arith.addi %mul3A_81, %add3A_130 : i32
      %mul3A_132 = arith.constant 2688 : i32
      %mul3A_133 = arith.muli %add3A_131, %mul3A_132 : i32
      %add3A_134 = arith.addi %mul3A_22, %mul3A_133 : i32
      %dma_wait3A_135 = tpu.memref_slice %arg2[%mul3A_20, %add3A_134] : memref<64x1000000xf32, #tpu.memory_space<hbm>> -> memref<8x2688xf32, #tpu.memory_space<hbm>>
      %dma_wait3A_136 = tpu.memref_slice %arg2[%mul3A_20, %add3A_134] : memref<64x1000000xf32, #tpu.memory_space<hbm>> -> memref<8x2688xf32, #tpu.memory_space<hbm>>
      tpu.wait_dma2 semaphore(%arg9 : memref<!tpu.dma_semaphore, #tpu.memory_space<semaphore_mem>>) src(%dma_wait3A_136 : memref<8x2688xf32, #tpu.memory_space<hbm>>) dst(%arg5 : memref<8x2688xf32, #tpu.memory_space<vmem>>)
      %add3A_137 = arith.constant 0 : i32
      %add3A_138 = arith.addi %mul3A_81, %add3A_137 : i32
      %mul3A_139 = arith.constant 2688 : i32
      %mul3A_140 = arith.muli %add3A_138, %mul3A_139 : i32
      %add3A_141 = arith.addi %mul3A_22, %mul3A_140 : i32
      %dma_start3A_142 = tpu.memref_slice %arg4[%mul3A_20, %add3A_141] : memref<64x1000000xf32, #tpu.memory_space<hbm>> -> memref<8x2688xf32, #tpu.memory_space<hbm>>
      %dma_start3A_143 = tpu.memref_slice %arg4[%mul3A_20, %add3A_141] : memref<64x1000000xf32, #tpu.memory_space<hbm>> -> memref<8x2688xf32, #tpu.memory_space<hbm>>
      tpu.enqueue_dma source(%arg5 : memref<8x2688xf32, #tpu.memory_space<vmem>>) target(%dma_start3A_143 : memref<8x2688xf32, #tpu.memory_space<hbm>>) target_semaphore(%arg12 : memref<!tpu.dma_semaphore, #tpu.memory_space<semaphore_mem>>)
      %add3A_144 = arith.constant 1 : i32
      %add3A_145 = arith.addi %mul3A_81, %add3A_144 : i32
      %mul3A_146 = arith.constant 2688 : i32
      %mul3A_147 = arith.muli %add3A_145, %mul3A_146 : i32
      %add3A_148 = arith.addi %mul3A_22, %mul3A_147 : i32
      %dma_wait3A_149 = tpu.memref_slice %arg2[%mul3A_20, %add3A_148] : memref<64x1000000xf32, #tpu.memory_space<hbm>> -> memref<8x2688xf32, #tpu.memory_space<hbm>>
      %dma_wait3A_150 = tpu.memref_slice %arg2[%mul3A_20, %add3A_148] : memref<64x1000000xf32, #tpu.memory_space<hbm>> -> memref<8x2688xf32, #tpu.memory_space<hbm>>
      tpu.wait_dma2 semaphore(%arg10 : memref<!tpu.dma_semaphore, #tpu.memory_space<semaphore_mem>>) src(%dma_wait3A_150 : memref<8x2688xf32, #tpu.memory_space<hbm>>) dst(%arg6 : memref<8x2688xf32, #tpu.memory_space<vmem>>)
      %add3A_151 = arith.constant 1 : i32
      %add3A_152 = arith.addi %mul3A_81, %add3A_151 : i32
      %mul3A_153 = arith.constant 2688 : i32
      %mul3A_154 = arith.muli %add3A_152, %mul3A_153 : i32
      %add3A_155 = arith.addi %mul3A_22, %mul3A_154 : i32
      %dma_start3A_156 = tpu.memref_slice %arg4[%mul3A_20, %add3A_155] : memref<64x1000000xf32, #tpu.memory_space<hbm>> -> memref<8x2688xf32, #tpu.memory_space<hbm>>
      %dma_start3A_157 = tpu.memref_slice %arg4[%mul3A_20, %add3A_155] : memref<64x1000000xf32, #tpu.memory_space<hbm>> -> memref<8x2688xf32, #tpu.memory_space<hbm>>
      tpu.enqueue_dma source(%arg6 : memref<8x2688xf32, #tpu.memory_space<vmem>>) target(%dma_start3A_157 : memref<8x2688xf32, #tpu.memory_space<hbm>>) target_semaphore(%arg13 : memref<!tpu.dma_semaphore, #tpu.memory_space<semaphore_mem>>)
      %add3A_158 = arith.constant 2 : i32
      %add3A_159 = arith.addi %mul3A_81, %add3A_158 : i32
      %mul3A_160 = arith.constant 2688 : i32
      %mul3A_161 = arith.muli %add3A_159, %mul3A_160 : i32
      %add3A_162 = arith.addi %mul3A_22, %mul3A_161 : i32
      %dma_wait3A_163 = tpu.memref_slice %arg2[%mul3A_20, %add3A_162] : memref<64x1000000xf32, #tpu.memory_space<hbm>> -> memref<8x2688xf32, #tpu.memory_space<hbm>>
      %dma_wait3A_164 = tpu.memref_slice %arg2[%mul3A_20, %add3A_162] : memref<64x1000000xf32, #tpu.memory_space<hbm>> -> memref<8x2688xf32, #tpu.memory_space<hbm>>
      tpu.wait_dma2 semaphore(%arg11 : memref<!tpu.dma_semaphore, #tpu.memory_space<semaphore_mem>>) src(%dma_wait3A_164 : memref<8x2688xf32, #tpu.memory_space<hbm>>) dst(%arg7 : memref<8x2688xf32, #tpu.memory_space<vmem>>)
      %add3A_165 = arith.constant 2 : i32
      %add3A_166 = arith.addi %mul3A_81, %add3A_165 : i32
      %mul3A_167 = arith.constant 2688 : i32
      %mul3A_168 = arith.muli %add3A_166, %mul3A_167 : i32
      %add3A_169 = arith.addi %mul3A_22, %mul3A_168 : i32
      %dma_start3A_170 = tpu.memref_slice %arg4[%mul3A_20, %add3A_169] : memref<64x1000000xf32, #tpu.memory_space<hbm>> -> memref<8x2688xf32, #tpu.memory_space<hbm>>
      %dma_start3A_171 = tpu.memref_slice %arg4[%mul3A_20, %add3A_169] : memref<64x1000000xf32, #tpu.memory_space<hbm>> -> memref<8x2688xf32, #tpu.memory_space<hbm>>
      tpu.enqueue_dma source(%arg7 : memref<8x2688xf32, #tpu.memory_space<vmem>>) target(%dma_start3A_171 : memref<8x2688xf32, #tpu.memory_space<hbm>>) target_semaphore(%arg14 : memref<!tpu.dma_semaphore, #tpu.memory_space<semaphore_mem>>)
    }
    %scan3A_62 = arith.constant 30 : i32
    %add3A_63 = arith.constant 241920 : i32
    %add3A_64 = arith.addi %mul3A_22, %add3A_63 : i32
    %dma_wait3A_65 = tpu.memref_slice %arg4[%mul3A_20, %add3A_64] : memref<64x1000000xf32, #tpu.memory_space<hbm>> -> memref<8x2688xf32, #tpu.memory_space<hbm>>
    %dma_wait3A_66 = tpu.memref_slice %arg4[%mul3A_20, %add3A_64] : memref<64x1000000xf32, #tpu.memory_space<hbm>> -> memref<8x2688xf32, #tpu.memory_space<hbm>>
    tpu.wait_dma2 semaphore(%arg12 : memref<!tpu.dma_semaphore, #tpu.memory_space<semaphore_mem>>) src(%arg5 : memref<8x2688xf32, #tpu.memory_space<vmem>>) dst(%dma_wait3A_66 : memref<8x2688xf32, #tpu.memory_space<hbm>>)
    %add3A_67 = arith.constant 244608 : i32
    %add3A_68 = arith.addi %mul3A_22, %add3A_67 : i32
    %dma_wait3A_69 = tpu.memref_slice %arg4[%mul3A_20, %add3A_68] : memref<64x1000000xf32, #tpu.memory_space<hbm>> -> memref<8x2688xf32, #tpu.memory_space<hbm>>
    %dma_wait3A_70 = tpu.memref_slice %arg4[%mul3A_20, %add3A_68] : memref<64x1000000xf32, #tpu.memory_space<hbm>> -> memref<8x2688xf32, #tpu.memory_space<hbm>>
    tpu.wait_dma2 semaphore(%arg13 : memref<!tpu.dma_semaphore, #tpu.memory_space<semaphore_mem>>) src(%arg6 : memref<8x2688xf32, #tpu.memory_space<vmem>>) dst(%dma_wait3A_70 : memref<8x2688xf32, #tpu.memory_space<hbm>>)
    %add3A_71 = arith.constant 247296 : i32
    %add3A_72 = arith.addi %mul3A_22, %add3A_71 : i32
    %dma_wait3A_73 = tpu.memref_slice %arg4[%mul3A_20, %add3A_72] : memref<64x1000000xf32, #tpu.memory_space<hbm>> -> memref<8x2688xf32, #tpu.memory_space<hbm>>
    %dma_wait3A_74 = tpu.memref_slice %arg4[%mul3A_20, %add3A_72] : memref<64x1000000xf32, #tpu.memory_space<hbm>> -> memref<8x2688xf32, #tpu.memory_space<hbm>>
    tpu.wait_dma2 semaphore(%arg14 : memref<!tpu.dma_semaphore, #tpu.memory_space<semaphore_mem>>) src(%arg7 : memref<8x2688xf32, #tpu.memory_space<vmem>>) dst(%dma_wait3A_74 : memref<8x2688xf32, #tpu.memory_space<hbm>>)
    return
  }
}

</mosaic_0001>

<sc_bundles>
// kernel: kernel.3.cloned.1.call-start
scs
__scs_entry_jumppad:
0x0: {  	(pc) =	sbr.rel $0x88, $3  }
0x1: {  	(tag) =	ssettag $0x0;
	lr =	simm.s32 $0x1  }
0x2: {  	[smem:$0x3F9F] =	sst lr;
	_ =	strace $0xD0000000  }
0x3: {  	_ = 	snop  }
0x4: {  	_ = 	snop  }
0x5: {  	_ = 	snop  }
0x6: {  	_ = 	snop  }
0x7: {  	_ = 	snop  }
__scs_overlays_trampoline_lowered:
0x8: {  	[smem:$0x3FAE] =	sst s0  }
0x9: {  	[smem:$0x3FAF] =	sst s1  }
0xa: {  	[smem:$0x3FB0] =	sst s2  }
0xb: {  	[smem:$0x3FB1] =	sst s3  }
0xc: {  	[smem:$0x3FB2] =	sst s4  }
0xd: {  	[smem:$0x3FB3] =	sst s5  }
0xe: {  	[smem:$0x3FB4] =	sst s6  }
0xf: {  	[smem:$0x3FB5] =	sst s7  }
0x10: {  	[smem:$0x3FB6] =	sst s8  }
0x11: {  	[smem:$0x3FB7] =	sst s9;
	s0 =	simm.s32 @!p0 $0x0  }
0x12: {  	s1 =	sld [smem:$0x3F9D];
	s0 =	simm.s32 @p0 $0x1  }
0x13: {  	[smem:$0x3FB8] =	sst s0;
	s0 =	simm.s32 @!p1 $0x0  }
0x14: {  	s2 =	sld [smem:$0x3F9C];
	s0 =	simm.s32 @p1 $0x1  }
0x15: {  	[smem:$0x3FB9] =	sst s0;
	s0 =	simm.s32 @!p2 $0x0  }
0x16: {  	s3 =	sld [smem:$0x3FDB];
	s0 =	simm.s32 @p2 $0x1  }
0x17: {  	s4 =	simm.s32 $0x1BF5;
	[smem:$0x3FBB] =	sst s0  }
0x18: {  	s0 =	sld [smem:$0x3F9E];
	_ =	swait.ge [sflag:s4], $0x0  }
0x19: {  	s7 =	sld [smem:$0x3F9F]  }
0x1a: {  	s8 =	sadd.s32 $0xFFFFE003, lr  }
0x1b: {  	s9 =	sadd.s32 $0xFFFFFEF7, lr;
	s5 =	simm.s32 $0xFFFFFFFF;
	p2 =	slt.u32 s8, $0xFFFFF086  }
0x1c: {  	p1 =	slt.u32 s9, $0xF7A;
	s5 =	simm.s32 @!p2 $0x0  }
0x1d: {  	s5 =	simm.s32 @p1 $0x1;
	p0 =	seq.s32 s7, s2  }
0x1e: {  	s7 =	smul.u32 @!p0 $0xF7A, s2;
	p2 =	seq.s32 @!p0 s5, $0x0  }
0x1f: {  	s9 =	smul.u32 $0xF7A, s1;
	s8 =	simm.s32 @!p0 $0x1BF5;
	p2 =	por !p2, p0  }
0x20: {  	[sflag:s8] =	ssyncset.s32 @!p0 $0xFFFFF086;
	s6 =	sadd.s32 @!p0 s3, s7;
	s7 =	simm.s32 @!p0 $0x108  }
0x21: {  	s3 =	sadd.s32 s3, s9;
	s6 =	sadd.s32 @!p0 $0x88, s6;
	s7 =	simm.s32 @p2 $0x1082  }
0x22: {  	[simem:s7], [sflag:s8] =	dma.local @!p0 [hbm:s6], $0xF7A  }
0x23: {  	s9 =	sor.u32 $0xD0000000, s2;
	s6 =	simm.s32 $0x108;
	_ =	swait.ge @!p0 [sflag:s8], $0x0  }
0x24: {  	s3 =	sadd.s32 $0x88, s3;
	s6 =	simm.s32 @!p1 $0x1082;
	[sflag:s4] =	ssyncset.s32 $0xFFFFF086  }
0x25: {  	[simem:s6], [sflag:s4] =	dma.local [hbm:s3], $0xF7A  }
0x26: {  	[smem:$0x3F9F] =	sst s1;
	(tag) =	ssettag s2;
	_ =	strace s9  }
0x27: {  	s1 =	sld [smem:$0x3FAF]  }
0x28: {  	s2 =	sld [smem:$0x3FB0]  }
0x29: {  	s4 =	sld [smem:$0x3FB2]  }
0x2a: {  	p0 =	seq.s32 s5, $0x0;
	s5 =	sld [smem:$0x3FB3]  }
0x2b: {  	s6 =	sld [smem:$0x3FB4]  }
0x2c: {  	s7 =	sld [smem:$0x3FB5]  }
0x2d: {  	s3 =	simm.s32 $0x108;
	s8 =	sld [smem:$0x3FB6]  }
0x2e: {  	s3 =	simm.s32 @!p0 $0x1082;
	s9 =	sld [smem:$0x3FB7]  }
0x2f: {  	lr =	sadd.s32 s0, s3;
	s0 =	sld [smem:$0x3FAE]  }
0x30: {  	s3 =	sld [smem:$0x3FB1]  }
0x31: {  	[smem:$0x3FBA] =	sst s10  }
0x32: {  	s10 =	sld [smem:$0x3FB8];
	_ =	sdelay $0x3  }
0x33: {  	p0 =	seq.s32 s10, $0x1;
	s10 =	sld [smem:$0x3FBA];
	_ =	sdelay $0x3  }
0x34: {  	[smem:$0x3FBA] =	sst s10  }
0x35: {  	s10 =	sld [smem:$0x3FB9];
	_ =	sdelay $0x3  }
0x36: {  	p1 =	seq.s32 s10, $0x1;
	s10 =	sld [smem:$0x3FBA];
	_ =	sdelay $0x3  }
0x37: {  	[smem:$0x3FBA] =	sst s10  }
0x38: {  	s10 =	sld [smem:$0x3FBB]  }
0x39: {  	_ = 	snop;
	(pc) =	sbr.ind lr, $3  }
0x3a: {  	_ = 	snop  }
0x3b: {  	_ = 	snop  }
0x3c: {  	p2 =	seq.s32 s10, $0x1;
	s10 =	sld [smem:$0x3FBA]  }
0x3d: {  	_ =	shalt  }
0x3e: {  	_ =	shalt  }
0x3f: {  	_ =	shalt  }
0x40: {  	_ =	shalt  }
0x41: {  	_ =	shalt  }
0x42: {  	_ =	shalt  }
0x43: {  	_ =	shalt  }
0x44: {  	_ =	shalt  }
0x45: {  	_ =	shalt  }
0x46: {  	_ =	shalt  }
0x47: {  	_ =	shalt  }
0x48: {  	_ =	shalt  }
0x49: {  	_ =	shalt  }
0x4a: {  	_ =	shalt  }
0x4b: {  	_ =	shalt  }
0x4c: {  	_ =	shalt  }
0x4d: {  	_ =	shalt  }
0x4e: {  	_ =	shalt  }
0x4f: {  	_ =	shalt  }
0x50: {  	_ =	shalt  }
0x51: {  	_ =	shalt  }
0x52: {  	_ =	shalt  }
0x53: {  	_ =	shalt  }
0x54: {  	_ =	shalt  }
0x55: {  	_ =	shalt  }
0x56: {  	_ =	shalt  }
0x57: {  	_ =	shalt  }
0x58: {  	_ =	shalt  }
0x59: {  	_ =	shalt  }
0x5a: {  	_ =	shalt  }
0x5b: {  	_ =	shalt  }
0x5c: {  	_ =	shalt  }
0x5d: {  	_ =	shalt  }
0x5e: {  	_ =	shalt  }
0x5f: {  	_ =	shalt  }
0x60: {  	_ =	shalt  }
0x61: {  	_ =	shalt  }
0x62: {  	_ =	shalt  }
0x63: {  	_ =	shalt  }
0x64: {  	_ =	shalt  }
0x65: {  	_ =	shalt  }
0x66: {  	_ =	shalt  }
0x67: {  	_ =	shalt  }
0x68: {  	_ =	shalt  }
0x69: {  	_ =	shalt  }
0x6a: {  	_ =	shalt  }
0x6b: {  	_ =	shalt  }
0x6c: {  	_ =	shalt  }
0x6d: {  	_ =	shalt  }
0x6e: {  	_ =	shalt  }
0x6f: {  	_ =	shalt  }
0x70: {  	_ =	shalt  }
0x71: {  	_ =	shalt  }
0x72: {  	_ =	shalt  }
0x73: {  	_ =	shalt  }
0x74: {  	_ =	shalt  }
0x75: {  	_ =	shalt  }
0x76: {  	_ =	shalt  }
0x77: {  	_ =	shalt  }
0x78: {  	_ =	shalt  }
0x79: {  	_ =	shalt  }
0x7a: {  	_ =	shalt  }
0x7b: {  	_ =	shalt  }
0x7c: {  	_ =	shalt  }
0x7d: {  	_ =	shalt  }
0x7e: {  	_ =	shalt  }
0x7f: {  	_ =	shalt  }
0x80: {  	_ =	shalt  }
0x81: {  	_ =	shalt  }
0x82: {  	_ =	shalt  }
0x83: {  	_ =	shalt  }
0x84: {  	_ =	shalt  }
0x85: {  	_ =	shalt  }
0x86: {  	_ =	shalt  }
0x87: {  	_ =	shalt  }
.Lfunc_end0:
.L_simem_size_0:
called_computation_lowered:
.L_overlay_start_0:
0x88: {  	s2 =	sld [smem:$0x3FD9]  }
0x89: {  	s3 =	sld [smem:$0x3FFE];
	_ =	sdelay $0x1  }
0x8a: {  	s1 =	srdreg.scid  }
0x8b: {  	s0 =	sand.u32 $0x1, s1  }
0x8c: {  	s17 =	sshll.u32 s0, $0xA;
	s2 =	sadd.s32 s3, s2  }
0x8d: {  	s2 =	sadd.s32 s2, s17  }
0x8e: {  	[smem:$0x3FC6] =	sst s2  }
0x8f: {  	_ = 	snop  }
0x90: {  	s2 =	sld [smem:$0x3FC9]  }
0x91: {  	s18 =	sld [smem:$0x3FD0];
	(tm) =	ssettm $0x1  }
0x92: {  	s4 =	sld [smem:$0x3FFB];
	_ =	sdelay $0x3  }
0x93: {  	_ =	strace s4  }
0x94: {  	s4 =	sld [smem:$0x3FFC];
	_ =	sdelay $0x3  }
0x95: {  	_ =	strace s4  }
0x96: {  	s4 =	sld [smem:$0x3FFD];
	_ =	sdelay $0x3  }
0x97: {  	_ =	strace s4  }
0x98: {  	_ =	strace $0x8FFFFFFF  }
0x99: {  	s19 =	sld [smem:$0x3FDB];
	_ =	sdelay $0x1  }
0x9a: {  	s5 =	simm.s32 $_scs_section_size  }
0x9b: {  	s6 =	simm.s32 $_size__tile_overlayer_lowered;
	s7 =	simm.s32 $_tile_overlayer_lowered  }
0x9c: {  	s22 =	simm.s32 $0x1BFF;
	s21 =	sshll.u32 s7, $0x1;
	s4 =	sadd.s32 s5, s19  }
0x9d: {  	s8 =	simm.s32 $0x0;
	s20 =	sshll.u32 s6, $0x1;
	s6 =	sadd.s32 s21, s4  }
0x9e: {  	[timem:s8], [sflag:s22] =	dma.local [hbm:s6], s20  }
0x9f: {  	_ =	swait.ge [sflag:s22], s20  }
0xa0: {  	s5 =	ssub.s32 $0x0, s20;
	[sflag:s22] =	ssyncset.done $0x0  }
0xa1: {  	[sflag:s22] =	ssyncadd.s32 s5;
	_ =	sdelay $0x1  }
0xa2: {  	s23 =	simm.s32 $0x1B8B  }
0xa3: {  	_ =	swait.ge [sflag:s23], $0x1  }
0xa4: {  	[sflag:s23] =	ssyncset.done $0x0  }
0xa5: {  	s25 =	simm.s32 $0x1B8E;
	s24 =	sld [smem:$0x3FFE];
	[sflag:s23] =	ssyncadd.s32 $0xFFFFFFFF  }
0xa6: {  	s26 =	simm.s32 $execute0_lowered;
	[smem:$0x3FD2] =	sst s25  }
0xa7: {  	s6 =	sshll.u32 s26, $0x1;
	_ =	strace $0x80000046;
	[dreg:$0x1] =	wrdreg $0xFFFFFFFF  }
0xa8: {  	s28 =	simm.s32 $_size_execute0_lowered;
	s4 =	sadd.s32 s4, s6;
	[dreg:$0x0] =	wrdreg $0x0  }
0xa9: {  	s6 =	sshll.u32 s28, $0x1;
	[dreg:$0x2] =	wrdreg s4  }
0xaa: {  	[dreg:$0x3] =	wrdreg s6  }
0xab: {  	[dreg:$0x4] =	wrdreg $0xC0  }
0xac: {  	_ =	task [dreg:s8], $0x5FFFF  }
0xad: {  	[dreg:$0x1] =	wrdreg $0xFFFFFFFF  }
0xae: {  	[dreg:$0x0] =	wrdreg $0x60  }
0xaf: {  	[dreg:$0x2] =	wrdreg s2  }
0xb0: {  	[dreg:$0x3] =	wrdreg s24  }
0xb1: {  	[dreg:$0x4] =	wrdreg s18  }
0xb2: {  	[dreg:$0x5] =	wrdreg $0x9  }
0xb3: {  	_ =	task.clear_ibuf [dreg:s8], $0x6FFFF;
	_ =	strace $0x90000046  }
0xb4: {  	s29 =	simm.s32 $0x9;
	_ =	strace $0x80000048  }
0xb5: {  	_ =	swait.ge [sflag:s29], $0x1  }
0xb6: {  	[sflag:s29] =	ssyncadd.s32 $0xFFFFFFFF  }
0xb7: {  	_ =	strace $0x90000048  }
0xb8: {  	_ =	sfence  }
0xb9: {  	s30 =	sld [smem:$0x0];
	_ =	sdelay $0x2  }
0xba: {  	s31 =	sshll.u32 s1, $0xD;
	s1 =	sshrl.u32 s1, $0x2  }
0xbb: {  	s3 =	sand.u32 $0x4000, s31;
	s1 =	sadd.s32 s1, s30  }
0xbc: {  	s0 =	sor.u32 s3, s0;
	s1 =	sshll.u32 s1, $0x11  }
0xbd: {  	s0 =	sor.u32 s1, s0  }
0xbe: {  	s0 =	sadd.s32 $0x8F2B, s0  }
0xbf: {  	[sflag:s0] =	ssyncadd.remote.s32 $0x1  }
0xc0: {  	_ =	sfence.sel $0xFFFF  }
0xc1: {  	[dreg:$0x0] =	wrdreg $0xFFFFFFFF;
	(pc) =	sbr.abs _section_cstart, $3  }
0xc2: {  	[dreg:$0x1] =	wrdreg $0xFFFFFFFF  }
0xc3: {  	_ =	task.clear_ibuf [dreg:s8], $0x2FFFF;
	_ =	strace $0x9FFFFFFF  }
0xc4: {  	(tm) =	ssettm $0x7FFFFFFF  }
0xc5: {  	_ =	shalt  }
tec
execute0_lowered:
.L_overlay_start_1:
0x0: {  	(tag) =	ssettag $0x1  }
0x1: {  	s0 =	stileid.u32;
	s10 =	rddreg [dreg:$0x0]  }
0x2: {  	s1 =	srdreg.scid;
	s6 =	rddreg [dreg:$0x1]  }
0x3: {  	s14 =	rddreg [dreg:$0x2];
	s19 =	simm.s32 $0x5;
	s20 =	simm.s32 $0x6  }
0x4: {  	s21 =	simm.s32 $0x0;
	s2 =	sshll.u32 s0, $0x1;
	s11 =	sand.u32 $0x1, s1  }
0x5: {  	s4 =	sshrl.u32 s0, $0x1;
	s1 =	rddreg [dreg:$0x3];
	s17 =	sand.u32 $0x1, s0  }
0x6: {  	s25 =	sand.u32 $0x2, s2;
	s12 =	smul.u32 $0x7A1400, s4;
	s2 =	simm.s32 $0x0  }
0x7: {  	s5 =	ssub.s32 $0x2, s11;
	s26 =	sshll.u32 s4, $0x7;
	s28 =	smul.u32 $0x7A100, s17  }
0x8: {  	s18 =	smul.u32 $0x3D080, s11;
	s17 =	simm.s32 $0x3;
	s13 =	sor.u32 s11, s25  }
0x9: {  	[smem:$0x7FF] =	sst s2;
	s7 =	sshrl.u32 s5, $0x1;
	s3 =	smul.u32 $0x1E8400, s13  }
0xa: {  	s6 =	sadd.s32 s6, s26;
	_ =	strace $0x80000047;
	s15 =	ssub.s32 s5, s7  }
0xb: {  	p0 =	sne.s32 s13, $0x0;
	s3 =	sadd.s32 s12, s3;
	s12 =	sshrl.u32 s12, $0x3  }
0xc: {  	s13 =	simm.s32 $0x5400;
	s8 =	sshrl.u32 s3, $0x3;
	s29 =	sadd.s32 s12, s10  }
0xd: {  	s30 =	sadd.s32 s12, s14;
	s3 =	sadd.s32 s10, s8;
	s9 =	sadd.s32 $0xA80, s8  }
0xe: {  	s16 =	sadd.s32 $0x1500, s8;
	s7 =	sadd.s32 s14, s8;
	s31 =	sadd.s32 s28, s29  }
0xf: {  	s4 =	sadd.s32 s10, s9;
	s5 =	sadd.s32 s10, s16;
	s8 =	sadd.s32 s14, s9  }
0x10: {  	s9 =	sadd.s32 s14, s16;
	s10 =	smax.u32 s15, $0x1;
	s14 =	sadd.s32 s28, s30  }
0x11: {  	s11 =	sadd.s32 s18, s31;
	s15 =	simm.s32 $0x1;
	s16 =	simm.s32 $0x2  }
0x12: {  	s12 =	sadd.s32 s18, s14;
	s14 =	simm.s32 $0xA800;
	s18 =	simm.s32 $0x4  }
.LBB2_1:
0x13: {  	[tilespmem:s2], [sflag:$0x1] =	stream.linear.gather [hbm4b:s3+s2], $0x5400, $0x38;
	[tilespmem:$0x10000] =	vst v63  }
0x14: {  	_ = 	snop  }
0x15: {  	[tilespmem:s13], [sflag:$0x2] =	stream.linear.gather [hbm4b:s4+s2], $0x5400, $0x38;
	[tilespmem:$0x10000] =	vst v63  }
0x16: {  	_ = 	snop  }
0x17: {  	[tilespmem:s14], [sflag:$0x3] =	stream.linear.gather [hbm4b:s5+s2], $0x5400, $0x38;
	[tilespmem:$0x10000] =	vst v63  }
0x18: {  	_ =	swait.ge [sflag:s15], $0x5400  }
0x19: {  	[sflag:s15] =	ssyncset.done $0x0  }
0x1a: {  	s22 =	simm.s32 @!p0 $0x0;
	s23 =	simm.s32 @!p0 $0xFC00;
	[sflag:s15] =	ssyncadd.s32 $0xFFFFAC00  }
0x1b: {  	[tilespmem:s23], [sflag:$0x7] =	stream.linear.gather @!p0 [hbm4b:s6+s22], $0x400, $0x38;
	[tilespmem:$0x10000] =	vst v63  }
0x1c: {  	s22 =	simm.s32 @!p0 $0x7  }
0x1d: {  	_ =	swait.ge @!p0 [sflag:s22], $0x400  }
0x1e: {  	[sflag:s22] =	ssyncset.done @!p0 $0x0  }
0x1f: {  	[sflag:s22] =	ssyncadd.s32 @!p0 $0xFFFFFC00  }
0x20: {  	v0 =	vld @!p0 [tilespmem:$0x0]  }
0x21: {  	v1 =	vld @!p0 [tilespmem:$0xFC00]  }
0x22: {  	v2 =	vld @!p0 [tilespmem:$0x80]  }
0x23: {  	v3 =	vld @!p0 [tilespmem:$0xFC80]  }
0x24: {  	v4 =	vld @!p0 [tilespmem:$0x100]  }
0x25: {  	v5 =	vld @!p0 [tilespmem:$0xFD00]  }
0x26: {  	v6 =	vld @!p0 [tilespmem:$0x180]  }
0x27: {  	v7 =	vld @!p0 [tilespmem:$0xFD80]  }
0x28: {  	v8 =	vld @!p0 [tilespmem:$0x200]  }
0x29: {  	v9 =	vld @!p0 [tilespmem:$0xFE00]  }
0x2a: {  	v10 =	vld @!p0 [tilespmem:$0x280]  }
0x2b: {  	v11 =	vld @!p0 [tilespmem:$0xFE80]  }
0x2c: {  	v12 =	vld @!p0 [tilespmem:$0x300]  }
0x2d: {  	v0 =	vadd.f32 @!p0 v1, v0;
	v1 =	vld @!p0 [tilespmem:$0xFF00]  }
0x2e: {  	v2 =	vadd.f32 @!p0 v3, v2;
	v3 =	vld @!p0 [tilespmem:$0x380]  }
0x2f: {  	[tilespmem:$0x0] =	vst @!p0 v0;
	v0 =	vadd.f32 @!p0 v5, v4;
	v4 =	vld @!p0 [tilespmem:$0xFF80]  }
0x30: {  	[tilespmem:$0x80] =	vst @!p0 v2;
	v2 =	vadd.f32 @!p0 v7, v6  }
0x31: {  	[tilespmem:$0x100] =	vst @!p0 v0;
	v0 =	vadd.f32 @!p0 v9, v8  }
0x32: {  	[tilespmem:$0x180] =	vst @!p0 v2;
	v2 =	vadd.f32 @!p0 v11, v10  }
0x33: {  	[tilespmem:$0x200] =	vst @!p0 v0;
	v0 =	vadd.f32 @!p0 v1, v12  }
0x34: {  	[tilespmem:$0x280] =	vst @!p0 v2;
	v1 =	vadd.f32 @!p0 v4, v3  }
0x35: {  	[tilespmem:$0x300] =	vst @!p0 v0  }
0x36: {  	[tilespmem:$0x380] =	vst @!p0 v1  }
0x37: {  	[hbm4b:s7+s2] =	stream.linear.scatter [tilespmem:s2], [sflag:$0x4], $0x5400, $0x38;
	[tilespmem:$0x10000] =	vst v63  }
0x38: {  	_ =	swait.ge [sflag:s16], $0x5400  }
0x39: {  	[sflag:s16] =	ssyncset.done $0x0  }
0x3a: {  	[sflag:s16] =	ssyncadd.s32 $0xFFFFAC00  }
0x3b: {  	[hbm4b:s8+s2] =	stream.linear.scatter [tilespmem:s13], [sflag:$0x5], $0x5400, $0x38;
	[tilespmem:$0x10000] =	vst v63  }
0x3c: {  	_ =	swait.ge [sflag:s17], $0x5400  }
0x3d: {  	[sflag:s17] =	ssyncset.done $0x0  }
0x3e: {  	[sflag:s17] =	ssyncadd.s32 $0xFFFFAC00  }
0x3f: {  	[hbm4b:s9+s2] =	stream.linear.scatter [tilespmem:s14], [sflag:$0x6], $0x5400, $0x38;
	[tilespmem:$0x10000] =	vst v63  }
0x40: {  	_ =	swait.ge [sflag:s18], $0x5400  }
0x41: {  	s25 =	sadd.s32 $0x0, s11;
	[sflag:s18] =	ssyncset.done $0x0  }
0x42: {  	s26 =	sadd.s32 $0x1F80, s25;
	[sflag:s18] =	ssyncadd.s32 $0xFFFFAC00  }
0x43: {  	[tilespmem:s2], [sflag:$0x1] =	stream.linear.gather [hbm4b:s26+s2], $0x5400, $0x38;
	[tilespmem:$0x10000] =	vst v63  }
0x44: {  	_ =	swait.ge [sflag:s19], $0x5400  }
0x45: {  	[sflag:s19] =	ssyncset.done $0x0  }
0x46: {  	s28 =	sadd.s32 $0x2A00, s25;
	[sflag:s19] =	ssyncadd.s32 $0xFFFFAC00  }
0x47: {  	[tilespmem:s13], [sflag:$0x2] =	stream.linear.gather [hbm4b:s28+s2], $0x5400, $0x38;
	[tilespmem:$0x10000] =	vst v63  }
0x48: {  	_ =	swait.ge [sflag:s20], $0x5400  }
0x49: {  	[sflag:s20] =	ssyncset.done $0x0  }
0x4a: {  	s22 =	sadd.s32 $0x3480, s25;
	[sflag:s20] =	ssyncadd.s32 $0xFFFFAC00  }
0x4b: {  	[tilespmem:s14], [sflag:$0x3] =	stream.linear.gather [hbm4b:s22+s2], $0x5400, $0x38;
	[tilespmem:$0x10000] =	vst v63  }
0x4c: {  	_ =	swait.ge [sflag:s15], $0x5400  }
0x4d: {  	s29 =	sadd.s32 $0x0, s12;
	[sflag:s15] =	ssyncset.done $0x0  }
0x4e: {  	s30 =	sadd.s32 $0x1F80, s29;
	[sflag:s15] =	ssyncadd.s32 $0xFFFFAC00  }
0x4f: {  	[hbm4b:s30+s2] =	stream.linear.scatter [tilespmem:s2], [sflag:$0x4], $0x5400, $0x38;
	[tilespmem:$0x10000] =	vst v63  }
0x50: {  	_ =	swait.ge [sflag:s16], $0x5400  }
0x51: {  	[sflag:s16] =	ssyncset.done $0x0  }
0x52: {  	s31 =	sadd.s32 $0x2A00, s29;
	[sflag:s16] =	ssyncadd.s32 $0xFFFFAC00  }
0x53: {  	[hbm4b:s31+s2] =	stream.linear.scatter [tilespmem:s13], [sflag:$0x5], $0x5400, $0x38;
	[tilespmem:$0x10000] =	vst v63  }
0x54: {  	_ =	swait.ge [sflag:s17], $0x5400  }
0x55: {  	[sflag:s17] =	ssyncset.done $0x0  }
0x56: {  	s23 =	sadd.s32 $0x3480, s29;
	s22 =	simm.s32 $0x1F80;
	[sflag:s17] =	ssyncadd.s32 $0xFFFFAC00  }
.LBB2_2:
0x57: {  	[hbm4b:s23+s2] =	stream.linear.scatter [tilespmem:s14], [sflag:$0x6], $0x5400, $0x38;
	[tilespmem:$0x10000] =	vst v63  }
0x58: {  	s23 =	smov.u32 s22  }
0x59: {  	p1 =	sne.s32 s22, $0x39180;
	s22 =	sadd.s32 $0x1F80, s22;
	_ =	swait.ge [sflag:s18], $0x5400  }
0x5a: {  	s24 =	sadd.s32 s23, s11;
	[sflag:s18] =	ssyncset.done $0x0  }
0x5b: {  	s25 =	sadd.s32 $0x1F80, s24;
	[sflag:s18] =	ssyncadd.s32 $0xFFFFAC00  }
0x5c: {  	[tilespmem:s2], [sflag:$0x1] =	stream.linear.gather [hbm4b:s25+s2], $0x5400, $0x38;
	[tilespmem:$0x10000] =	vst v63  }
0x5d: {  	_ =	swait.ge [sflag:s19], $0x5400  }
0x5e: {  	[sflag:s19] =	ssyncset.done $0x0  }
0x5f: {  	s25 =	sadd.s32 $0x2A00, s24;
	[sflag:s19] =	ssyncadd.s32 $0xFFFFAC00  }
0x60: {  	[tilespmem:s13], [sflag:$0x2] =	stream.linear.gather [hbm4b:s25+s2], $0x5400, $0x38;
	[tilespmem:$0x10000] =	vst v63  }
0x61: {  	_ =	swait.ge [sflag:s20], $0x5400  }
0x62: {  	[sflag:s20] =	ssyncset.done $0x0  }
0x63: {  	s24 =	sadd.s32 $0x3480, s24;
	[sflag:s20] =	ssyncadd.s32 $0xFFFFAC00  }
0x64: {  	[tilespmem:s14], [sflag:$0x3] =	stream.linear.gather [hbm4b:s24+s2], $0x5400, $0x38;
	[tilespmem:$0x10000] =	vst v63  }
0x65: {  	_ =	swait.ge [sflag:s15], $0x5400  }
0x66: {  	s23 =	sadd.s32 s23, s12;
	[sflag:s15] =	ssyncset.done $0x0  }
0x67: {  	s24 =	sadd.s32 $0x1F80, s23;
	[sflag:s15] =	ssyncadd.s32 $0xFFFFAC00  }
0x68: {  	[hbm4b:s24+s2] =	stream.linear.scatter [tilespmem:s2], [sflag:$0x4], $0x5400, $0x38;
	[tilespmem:$0x10000] =	vst v63  }
0x69: {  	_ =	swait.ge [sflag:s16], $0x5400  }
0x6a: {  	[sflag:s16] =	ssyncset.done $0x0  }
.Ltmp0:
0x6b: {  	s24 =	sadd.s32 $0x2A00, s23;
	[sflag:s16] =	ssyncadd.s32 $0xFFFFAC00;
	(pc) =	sbr.rel @p1 .LBB2_2-.Ltmp0, $4  }
0x6c: {  	[hbm4b:s24+s2] =	stream.linear.scatter [tilespmem:s13], [sflag:$0x5], $0x5400, $0x38;
	[tilespmem:$0x10000] =	vst v63  }
0x6d: {  	_ =	swait.ge [sflag:s17], $0x5400  }
0x6e: {  	[sflag:s17] =	ssyncset.done $0x0  }
0x6f: {  	s23 =	sadd.s32 $0x3480, s23;
	[sflag:s17] =	ssyncadd.s32 $0xFFFFAC00  }
0x70: {  	[hbm4b:s23+s2] =	stream.linear.scatter [tilespmem:s14], [sflag:$0x6], $0x5400, $0x38;
	[tilespmem:$0x10000] =	vst v63  }
0x71: {  	_ =	swait.ge [sflag:s18], $0x5400  }
0x72: {  	[sflag:s18] =	ssyncset.done $0x0  }
0x73: {  	s21 =	sadd.s32 $0x1, s21;
	[sflag:s18] =	ssyncadd.s32 $0xFFFFAC00  }
0x74: {  	p1 =	sne.s32 s21, s10;
	_ =	swait.ge [sflag:s19], $0x5400  }
.Ltmp1:
0x75: {  	[sflag:s19] =	ssyncset.done $0x0;
	(pc) =	sbr.rel @p1 .LBB2_1-.Ltmp1, $4  }
0x76: {  	[sflag:s19] =	ssyncadd.s32 $0xFFFFAC00  }
0x77: {  	_ =	swait.ge [sflag:s20], $0x5400  }
0x78: {  	[sflag:s20] =	ssyncset.done $0x0  }
0x79: {  	[sflag:s20] =	ssyncadd.s32 $0xFFFFAC00  }
0x7a: {  	_ =	sfence.sel $0x180000  }
0x7b: {  	[bflag:$0x0] =	sbarrier.arrive $0xFFFF  }
0x7c: {  	p0 =	sne.s32 s0, $0x0;
	_ =	strace $0x90000047  }
0x7d: {  	s0 =	sadd.s32 @!p0 $0x100000, s1;
	[bflag:$0x2] =	sbarrier.arrive $0xFFFF  }
0x7e: {  	[sflag:s0] =	ssyncadd.tile.s32 @!p0 $0x1;
	_ =	shalt  }
.Lfunc_end2:
_tile_overlayer_lowered:
.L_overlay_start_2:
0x7f: {  	(tag) =	ssettag $0x2  }
0x80: {  	s0 =	rddreg [dreg:$0x0];
	s2 =	stileid.u32  }
0x81: {  	s1 =	rddreg [dreg:$0x1];
	p0 =	sne.s32 s2, $0x0  }
0x82: {  	s3 =	rddreg [dreg:$0x2];
	[bflag:$0x3] =	sbarrier.arrive $0xFFFF;
	s2 =	simm.s32 @!p0 $0x1C07  }
0x83: {  	[timem:s3], [sflag:s2] =	dma.local @!p0 [hbm:s0], s1  }
0x84: {  	s0 =	simm.s32 @!p0 $0x7  }
0x85: {  	_ =	swait.ge @!p0 [sflag:s0], s1  }
0x86: {  	s1 =	ssub.s32 @!p0 $0x0, s1;
	[sflag:s0] =	ssyncset.done @!p0 $0x0  }
0x87: {  	[sflag:s0] =	ssyncadd.s32 @!p0 s1  }
0x88: {  	[bflag:$0x3] =	sbarrier.arrive $0xFFFF  }
0x89: {  	_ =	shalt  }

</sc_bundles>
